<compile_context>
chip_gen: v7x
topology: tpu7x:2x2x1
jax: 0.10.2.dev20260603
libtpu: 0.0.44.dev20260713+nightly
codegen_flags: <defaults>
</compile_context>

<pallas_src>
import functools

import jax
import jax.numpy as jnp
from jax import lax
from jax.experimental import pallas as pl
from jax.experimental.pallas import tpu as pltpu
from jax.experimental.pallas import tpu_sc as plsc

N = 10000
E = 160000
D = 256
HD = D // 2
NS = 16
C = 96
EPT = E // NS
EPTP = 10176
K = EPTP // C
NBUF = 1
NP = 10112
RPT = NP // NS


def _sc_spmm_body(tbl, dst_h, src_h, zeros_h, out, dbuf, sbuf, rows, gsems,
                  pidx, prow, s_sh, psh):
    cid = lax.axis_index("c")
    sid = lax.axis_index("s")

    pltpu.sync_copy(zeros_h, s_sh.at[pl.ds(sid * RPT, RPT)])

    pltpu.sync_copy(dst_h.at[pl.ds(sid * EPTP, EPTP)], dbuf)
    pltpu.sync_copy(src_h.at[sid], sbuf)

    def trans(i, carry):
        v = dbuf[pl.ds(i * 16, 16)]
        dbuf[pl.ds(i * 16, 16)] = v & 127
        return carry

    lax.fori_loop(0, EPTP // 16, trans, 0)
    plsc.subcore_barrier()


    def start_gather(k, b):
        pltpu.async_copy(psh.at[dbuf.at[pl.ds(k * C, C)]], rows.at[b],
                         gsems.at[b])

    for b in range(NBUF):
        start_gather(b, b)

    def pipe(i, carry):
        for b in range(NBUF):
            k = i * NBUF + b
            pltpu.make_async_copy(psh.at[dbuf.at[pl.ds(k * C, C)]],
                                  rows.at[b], gsems.at[b]).wait()
            pltpu.sync_copy(rows.at[b], s_sh.at[sbuf.at[k]], add=True)

            @pl.when(k + NBUF < K)
            def _():
                start_gather(k + NBUF, b)

        return carry

    lax.fori_loop(0, K // NBUF, pipe, 0)
    plsc.subcore_barrier()

    pltpu.sync_copy(s_sh.at[pl.ds(sid * RPT, RPT)],
                    out.at[cid, pl.ds(sid * RPT, RPT)])


@functools.cache
def _sc_spmm():
    return pl.kernel(
        _sc_spmm_body,
        out_type=jax.ShapeDtypeStruct((2, NP, HD), jnp.float32),
        mesh=plsc.VectorSubcoreMesh(core_axis_name="c", subcore_axis_name="s"),
        scratch_types=[
            pltpu.VMEM((EPTP,), jnp.int32),
            pltpu.VMEM((K, C), jnp.int32),
            pltpu.VMEM((NBUF, C, HD), jnp.float32),
            pltpu.SemaphoreType.DMA((NBUF,)),
            pltpu.VMEM((16,), jnp.int32),
            pltpu.VMEM((16, 64), jnp.float32),
            pltpu.VMEM_SHARED((NP, HD), jnp.float32),
            pltpu.VMEM_SHARED((128, HD), jnp.float32),
        ],
    )


def _tc_dense_body(s_ref, fin_ref, wout_ref, wih_ref, bih_ref, whh_ref,
                   bhh_ref, out_ref):
    hi = lax.Precision.DEFAULT
    dn = (((1,), (1,)), ((), ()))
    s0 = s_ref[0]
    s1 = s_ref[1]
    w = wout_ref[...]
    agg = (lax.dot_general(s0, w[:, :HD], dn, precision=hi,
                           preferred_element_type=jnp.float32) +
           lax.dot_general(s1, w[:, HD:], dn, precision=hi,
                           preferred_element_type=jnp.float32))
    fin = fin_ref[...]
    gi = lax.dot_general(agg, wih_ref[...], dn, precision=hi,
                         preferred_element_type=jnp.float32) + bih_ref[...]
    gh = lax.dot_general(fin, whh_ref[...], dn, precision=hi,
                         preferred_element_type=jnp.float32) + bhh_ref[...]
    r = jax.nn.sigmoid(gi[:, :D] + gh[:, :D])
    z = jax.nn.sigmoid(gi[:, D:2 * D] + gh[:, D:2 * D])
    n = jnp.tanh(gi[:, 2 * D:] + r * gh[:, 2 * D:])
    out_ref[...] = (1.0 - z) * n + z * fin


BN = 1000

_tc_dense = pl.pallas_call(
    _tc_dense_body,
    grid=(N // BN,),
    in_specs=[
        pl.BlockSpec((2, BN, HD), lambda i: (0, i, 0)),
        pl.BlockSpec((BN, D), lambda i: (i, 0)),
        pl.BlockSpec((D, D), lambda i: (0, 0)),
        pl.BlockSpec((3 * D, D), lambda i: (0, 0)),
        pl.BlockSpec((1, 3 * D), lambda i: (0, 0)),
        pl.BlockSpec((3 * D, D), lambda i: (0, 0)),
        pl.BlockSpec((1, 3 * D), lambda i: (0, 0)),
    ],
    out_specs=pl.BlockSpec((BN, D), lambda i: (i, 0)),
    out_shape=jax.ShapeDtypeStruct((N, D), jnp.float32),
)


def kernel(feat_in, feat_out, edge_index, W_in_w, W_in_b, W_out_w, W_out_b,
           W_fuse, b_fuse, W_ih, b_ih, W_hh, b_hh):
    pad_d = jnp.zeros((NS, EPTP - EPT), jnp.int32)
    pad_s = jnp.full((NS, EPTP - EPT), NP - 1, jnp.int32)
    dst = jnp.concatenate(
        [edge_index[1].reshape(NS, EPT), pad_d], axis=1).reshape(-1)
    src = jnp.concatenate(
        [edge_index[0].reshape(NS, EPT), pad_s], axis=1).reshape(NS, K, C)
    tbl = feat_out.reshape(2 * N, HD)
    zeros = jnp.zeros((RPT, HD), jnp.float32)
    s = _sc_spmm()(tbl, dst, src, zeros)
    rst = _tc_dense(s, feat_in, W_out_w, W_ih, b_ih.reshape(1, 3 * D),
                    W_hh, b_hh.reshape(1, 3 * D))
    return (rst, rst)

# --- scband reference (transcript-rebuilt; emitter-appended) ---
"""Pipeline reference for scband-high-level-ggnn-48266842472884 (READ-ONLY COPY).

The authoritative reference and input builder live on the scoring server;
editing this copy changes nothing except your own understanding.
"""

import jax, jax.numpy as jnp
import numpy as np

N = 10000
E = 160000
D = 256


def setup_inputs(seed: int = 0) -> dict:
    key = jax.random.key(seed)
    ks = jax.random.split(key, 16)
    feat_in = jax.random.normal(ks[0], (N, D), dtype=jnp.float32)
    feat_out = jax.random.normal(ks[1], (N, D), dtype=jnp.float32)
    edge_index = jax.random.randint(ks[2], (2, E), 0, N, dtype=jnp.int32)
    s = 1.0 / np.sqrt(D)
    W_in_w = jax.random.normal(ks[3], (D, D), dtype=jnp.float32) * s
    W_in_b = jnp.zeros((D,), dtype=jnp.float32)
    W_out_w = jax.random.normal(ks[4], (D, D), dtype=jnp.float32) * s
    W_out_b = jnp.zeros((D,), dtype=jnp.float32)
    W_fuse = jax.random.normal(ks[5], (D, 4 * D), dtype=jnp.float32) * (1.0 / np.sqrt(4 * D))
    b_fuse = jnp.zeros((D,), dtype=jnp.float32)
    W_ih = jax.random.normal(ks[6], (3 * D, D), dtype=jnp.float32) * s
    b_ih = jnp.zeros((3 * D,), dtype=jnp.float32)
    W_hh = jax.random.normal(ks[7], (3 * D, D), dtype=jnp.float32) * s
    b_hh = jnp.zeros((3 * D,), dtype=jnp.float32)
    return {
        'feat_in': feat_in, 'feat_out': feat_out, 'edge_index': edge_index,
        'W_in_w': W_in_w, 'W_in_b': W_in_b, 'W_out_w': W_out_w, 'W_out_b': W_out_b,
        'W_fuse': W_fuse, 'b_fuse': b_fuse,
        'W_ih': W_ih, 'b_ih': b_ih, 'W_hh': W_hh, 'b_hh': b_hh,
    }


def reference(feat_in, feat_out, edge_index, W_in_w, W_in_b, W_out_w, W_out_b,
              W_fuse, b_fuse, W_ih, b_ih, W_hh, b_hh):
    src = edge_index[0]
    dst = edge_index[1]
    # incoming direction: messages from src along edges, aggregated at dst
    msg_in = feat_in[src] @ W_in_w.T + W_in_b
    agg_in = jax.ops.segment_sum(msg_in, dst, num_segments=N)
    # outgoing direction: reversed graph -> messages from dst, aggregated at src
    msg_out = feat_out[dst] @ W_out_w.T + W_out_b
    agg_out = jax.ops.segment_sum(msg_out, src, num_segments=N)
    # bi-fuse gating (faithful to original, including gate applied to agg_out twice)
    fuse_vector = jnp.concatenate([agg_in, agg_out, agg_in * agg_out, agg_in - agg_out], axis=-1)
    fuse_gate = jax.nn.sigmoid(fuse_vector @ W_fuse.T + b_fuse)
    emb_fused = fuse_gate * agg_out + (1.0 - fuse_gate) * agg_out
    # GRUCell(emb_fused, feat_in) with PyTorch semantics
    gi = emb_fused @ W_ih.T + b_ih
    gh = feat_in @ W_hh.T + b_hh
    i_r, i_z, i_n = jnp.split(gi, 3, axis=-1)
    h_r, h_z, h_n = jnp.split(gh, 3, axis=-1)
    r = jax.nn.sigmoid(i_r + h_r)
    z = jax.nn.sigmoid(i_z + h_z)
    n = jnp.tanh(i_n + r * h_n)
    rst = (1.0 - z) * n + z * feat_in
    return (rst, rst)

if __name__ == "__main__":
    import jax
    _d = setup_inputs()
    print(jax.jit(kernel)(*tuple(_d.values())))

</pallas_src>

<mosaic_0001>
#map = affine_map<(d0, d1) -> (0, 0)>
#map1 = affine_map<(d0, d1) -> (0)>
#map2 = affine_map<(d0, d1) -> (0, 0, 0)>
module attributes {stable_mosaic.version = 14 : i64} {
  func.func @_sc_spmm_body(%arg0: i32, %arg1: i32, %arg2: memref<20000x128xf32, #tpu.memory_space<hbm>>, %arg3: memref<162816xi32, #tpu.memory_space<hbm>>, %arg4: memref<16x106x96xi32, #tpu.memory_space<hbm>>, %arg5: memref<632x128xf32, #tpu.memory_space<hbm>>, %arg6: memref<2x10112x128xf32, #tpu.memory_space<hbm>>, %arg7: memref<10176xi32, #tpu.memory_space<vmem>>, %arg8: memref<106x96xi32, #tpu.memory_space<vmem>>, %arg9: memref<1x96x128xf32, #tpu.memory_space<vmem>>, %arg10: memref<1x!tpu.dma_semaphore, #tpu.memory_space<semaphore_mem>>, %arg11: memref<16xi32, #tpu.memory_space<vmem>>, %arg12: memref<16x64xf32, #tpu.memory_space<vmem>>, %arg13: memref<10112x128xf32, #tpu.memory_space<vmem_shared>>, %arg14: memref<128x128xf32, #tpu.memory_space<vmem_shared>>) attributes {dimension_semantics = [#tpu.dimension_semantics<core_parallel>, #tpu.dimension_semantics<subcore_parallel>], iteration_bounds = array<i64: 2, 16>, scalar_prefetch = 0 : i64, scratch_operands = 8 : i64, tpu.core_type = #tpu.core_type<sc_vector_subcore>, window_params = [{transform_indices = #map}, {transform_indices = #map1}, {transform_indices = #map2}, {transform_indices = #map}, {transform_indices = #map2}]} {
    %mul3A = arith.constant 632 : i32
    %mul3A_0 = arith.muli %arg1, %mul3A : i32
    "tpu.region"() ({
      %run_scoped3A = tpu.sem_alloc : memref<!tpu.dma_semaphore, #tpu.memory_space<semaphore_mem>>
      %dma_start3A_31 = arith.constant 0 : i32
      %dma_start3A_32 = tpu.memref_slice %arg13[%mul3A_0, %dma_start3A_31] : memref<10112x128xf32, #tpu.memory_space<vmem_shared>> -> memref<632x128xf32, #tpu.memory_space<vmem_shared>>
      tpu.enqueue_dma source(%arg5 : memref<632x128xf32, #tpu.memory_space<hbm>>) target(%dma_start3A_32 : memref<632x128xf32, #tpu.memory_space<vmem_shared>>) target_semaphore(%run_scoped3A : memref<!tpu.dma_semaphore, #tpu.memory_space<semaphore_mem>>)
      %dma_wait3A = arith.constant 0 : i32
      %dma_wait3A_33 = tpu.memref_slice %arg13[%mul3A_0, %dma_wait3A] : memref<10112x128xf32, #tpu.memory_space<vmem_shared>> -> memref<632x128xf32, #tpu.memory_space<vmem_shared>>
      tpu.wait_dma2 semaphore(%run_scoped3A : memref<!tpu.dma_semaphore, #tpu.memory_space<semaphore_mem>>) src(%arg5 : memref<632x128xf32, #tpu.memory_space<hbm>>) dst(%dma_wait3A_33 : memref<632x128xf32, #tpu.memory_space<vmem_shared>>)
      tpu.yield
    }) : () -> ()
    %mul3A_1 = arith.constant 10176 : i32
    %mul3A_2 = arith.muli %arg1, %mul3A_1 : i32
    "tpu.region"() ({
      %run_scoped3A = tpu.sem_alloc : memref<!tpu.dma_semaphore, #tpu.memory_space<semaphore_mem>>
      %dma_start3A_31 = tpu.memref_slice %arg3[%mul3A_2] : memref<162816xi32, #tpu.memory_space<hbm>> -> memref<10176xi32, #tpu.memory_space<hbm>>
      %dma_start3A_32 = tpu.memref_slice %arg3[%mul3A_2] : memref<162816xi32, #tpu.memory_space<hbm>> -> memref<10176xi32, #tpu.memory_space<hbm>>
      tpu.enqueue_dma source(%dma_start3A_32 : memref<10176xi32, #tpu.memory_space<hbm>>) target(%arg7 : memref<10176xi32, #tpu.memory_space<vmem>>) target_semaphore(%run_scoped3A : memref<!tpu.dma_semaphore, #tpu.memory_space<semaphore_mem>>)
      %dma_wait3A = tpu.memref_slice %arg3[%mul3A_2] : memref<162816xi32, #tpu.memory_space<hbm>> -> memref<10176xi32, #tpu.memory_space<hbm>>
      %dma_wait3A_33 = tpu.memref_slice %arg3[%mul3A_2] : memref<162816xi32, #tpu.memory_space<hbm>> -> memref<10176xi32, #tpu.memory_space<hbm>>
      tpu.wait_dma2 semaphore(%run_scoped3A : memref<!tpu.dma_semaphore, #tpu.memory_space<semaphore_mem>>) src(%dma_wait3A_33 : memref<10176xi32, #tpu.memory_space<hbm>>) dst(%arg7 : memref<10176xi32, #tpu.memory_space<vmem>>)
      tpu.yield
    }) : () -> ()
    "tpu.region"() ({
      %run_scoped3A = tpu.sem_alloc : memref<!tpu.dma_semaphore, #tpu.memory_space<semaphore_mem>>
      %dma_start3A_31 = arith.constant 0 : i32
      %dma_start3A_32 = arith.constant 0 : i32
      %dma_start3A_33 = tpu.memref_slice %arg4[%arg1, %dma_start3A_31, %dma_start3A_32] : memref<16x106x96xi32, #tpu.memory_space<hbm>> -> memref<1x106x96xi32, #tpu.memory_space<hbm>>
      %dma_start3A_34 = tpu.memref_squeeze %dma_start3A_33 : memref<1x106x96xi32, #tpu.memory_space<hbm>> -> memref<106x96xi32, #tpu.memory_space<hbm>>
      %dma_start3A_35 = arith.constant 0 : i32
      %dma_start3A_36 = arith.constant 0 : i32
      %dma_start3A_37 = tpu.memref_slice %arg4[%arg1, %dma_start3A_35, %dma_start3A_36] : memref<16x106x96xi32, #tpu.memory_space<hbm>> -> memref<1x106x96xi32, #tpu.memory_space<hbm>>
      %dma_start3A_38 = tpu.memref_squeeze %dma_start3A_37 : memref<1x106x96xi32, #tpu.memory_space<hbm>> -> memref<106x96xi32, #tpu.memory_space<hbm>>
      tpu.enqueue_dma source(%dma_start3A_38 : memref<106x96xi32, #tpu.memory_space<hbm>>) target(%arg8 : memref<106x96xi32, #tpu.memory_space<vmem>>) target_semaphore(%run_scoped3A : memref<!tpu.dma_semaphore, #tpu.memory_space<semaphore_mem>>)
      %dma_wait3A = arith.constant 0 : i32
      %dma_wait3A_39 = arith.constant 0 : i32
      %dma_wait3A_40 = tpu.memref_slice %arg4[%arg1, %dma_wait3A, %dma_wait3A_39] : memref<16x106x96xi32, #tpu.memory_space<hbm>> -> memref<1x106x96xi32, #tpu.memory_space<hbm>>
      %dma_wait3A_41 = tpu.memref_squeeze %dma_wait3A_40 : memref<1x106x96xi32, #tpu.memory_space<hbm>> -> memref<106x96xi32, #tpu.memory_space<hbm>>
      %dma_wait3A_42 = arith.constant 0 : i32
      %dma_wait3A_43 = arith.constant 0 : i32
      %dma_wait3A_44 = tpu.memref_slice %arg4[%arg1, %dma_wait3A_42, %dma_wait3A_43] : memref<16x106x96xi32, #tpu.memory_space<hbm>> -> memref<1x106x96xi32, #tpu.memory_space<hbm>>
      %dma_wait3A_45 = tpu.memref_squeeze %dma_wait3A_44 : memref<1x106x96xi32, #tpu.memory_space<hbm>> -> memref<106x96xi32, #tpu.memory_space<hbm>>
      tpu.wait_dma2 semaphore(%run_scoped3A : memref<!tpu.dma_semaphore, #tpu.memory_space<semaphore_mem>>) src(%dma_wait3A_45 : memref<106x96xi32, #tpu.memory_space<hbm>>) dst(%arg8 : memref<106x96xi32, #tpu.memory_space<vmem>>)
      tpu.yield
    }) : () -> ()
    %scan3A = arith.constant 0 : i32
    %scan3A_3 = arith.constant 0 : i32
    %scan3A_4 = arith.constant 636 : i32
    %scan3A_5 = arith.addi %scan3A_3, %scan3A_4 : i32
    %scan3A_6 = arith.constant 1 : i32
    scf.for %scan3A_31 = %scan3A_3 to %scan3A_5 step %scan3A_6  : i32 {
      %mul3A_32 = arith.constant 16 : i32
      %mul3A_33 = arith.muli %scan3A_31, %mul3A_32 : i32
      %get3A = arith.index_cast %mul3A_33 : i32 to index
      %get3A_34 = tpu.vector_load %arg7[%get3A] {strides = array<i32>} : memref<10176xi32, #tpu.memory_space<vmem>>, vector<16xi32>,
      %get3A_35 = vector.shape_cast %get3A_34 : vector<16xi32> to vector<16xi32>
      %and3A = arith.constant 127 : i32
      %and3A_36 = vector.broadcast %and3A : i32 to vector<16xi32>
      %and3A_37 = arith.andi %get3A_35, %and3A_36 : vector<16xi32>
      %mul3A_38 = arith.constant 16 : i32
      %mul3A_39 = arith.muli %scan3A_31, %mul3A_38 : i32
      %swap3A = arith.index_cast %mul3A_39 : i32 to index
      %swap3A_40 = tpu.vector_load %arg7[%swap3A] {strides = array<i32>} : memref<10176xi32, #tpu.memory_space<vmem>>, vector<16xi32>,
      %swap3A_41 = vector.shape_cast %swap3A_40 : vector<16xi32> to vector<16xi32>
      %swap3A_42 = vector.shape_cast %and3A_37 : vector<16xi32> to vector<16xi32>
      tpu.vector_store %arg7[%swap3A], %swap3A_42 {strides = array<i32>} : memref<10176xi32, #tpu.memory_space<vmem>>, vector<16xi32>,
    }
    %scan3A_7 = arith.constant 636 : i32
    %barrier3A = arith.constant 0 : index
    tpu.barrier barrier_id(%barrier3A)
    %dma_start3A = arith.constant 0 : i32
    %dma_start3A_8 = arith.constant 0 : i32
    %dma_start3A_9 = arith.constant 0 : i32
    %dma_start3A_10 = arith.constant 0 : i32
    %dma_start3A_11 = tpu.memref_slice %arg9[%dma_start3A, %dma_start3A_9, %dma_start3A_10] : memref<1x96x128xf32, #tpu.memory_space<vmem>> -> memref<1x96x128xf32, #tpu.memory_space<vmem>>
    %dma_start3A_12 = tpu.memref_squeeze %dma_start3A_11 : memref<1x96x128xf32, #tpu.memory_space<vmem>> -> memref<96x128xf32, #tpu.memory_space<vmem>>
    %dma_start3A_13 = arith.constant 0 : i32
    %dma_start3A_14 = tpu.memref_slice %arg7[%dma_start3A_13] : memref<10176xi32, #tpu.memory_space<vmem>> -> memref<96xi32, #tpu.memory_space<vmem>>
    %dma_start3A_15 = arith.constant 0 : i32
    %dma_start3A_16 = arith.constant 0 : i32
    %dma_start3A_17 = tpu.memref_slice %arg14[%dma_start3A_15, %dma_start3A_16] : memref<128x128xf32, #tpu.memory_space<vmem_shared>> -> memref<128x128xf32, #tpu.memory_space<vmem_shared>>
    %dma_start3A_18 = tpu.memref_slice %arg10[%dma_start3A_8] : memref<1x!tpu.dma_semaphore, #tpu.memory_space<semaphore_mem>> -> memref<1x!tpu.dma_semaphore, #tpu.memory_space<semaphore_mem>>
    %dma_start3A_19 = tpu.memref_squeeze %dma_start3A_18 : memref<1x!tpu.dma_semaphore, #tpu.memory_space<semaphore_mem>> -> memref<!tpu.dma_semaphore, #tpu.memory_space<semaphore_mem>>
    tpu.enqueue_indirect_dma source(%dma_start3A_17 : memref<128x128xf32, #tpu.memory_space<vmem_shared>>) target(%dma_start3A_12 : memref<96x128xf32, #tpu.memory_space<vmem>>) offsets(%dma_start3A_14 : memref<96xi32, #tpu.memory_space<vmem>>) semaphore(%dma_start3A_19 : memref<!tpu.dma_semaphore, #tpu.memory_space<semaphore_mem>>)
    %scan3A_20 = arith.constant 0 : i32
    %scan3A_21 = arith.constant 0 : i32
    %scan3A_22 = arith.constant 106 : i32
    %scan3A_23 = arith.addi %scan3A_21, %scan3A_22 : i32
    %scan3A_24 = arith.constant 1 : i32
    scf.for %scan3A_31 = %scan3A_21 to %scan3A_23 step %scan3A_24  : i32 {
      %mul3A_32 = arith.constant 1 : i32
      %mul3A_33 = arith.muli %scan3A_31, %mul3A_32 : i32
      %add3A = arith.constant 0 : i32
      %add3A_34 = arith.addi %mul3A_33, %add3A : i32
      %mul3A_35 = arith.constant 96 : i32
      %mul3A_36 = arith.muli %add3A_34, %mul3A_35 : i32
      %dma_wait3A = arith.constant 0 : i32
      %dma_wait3A_37 = arith.constant 0 : i32
      %dma_wait3A_38 = arith.constant 0 : i32
      %dma_wait3A_39 = arith.constant 0 : i32
      %dma_wait3A_40 = tpu.memref_slice %arg9[%dma_wait3A, %dma_wait3A_38, %dma_wait3A_39] : memref<1x96x128xf32, #tpu.memory_space<vmem>> -> memref<1x96x128xf32, #tpu.memory_space<vmem>>
      %dma_wait3A_41 = tpu.memref_squeeze %dma_wait3A_40 : memref<1x96x128xf32, #tpu.memory_space<vmem>> -> memref<96x128xf32, #tpu.memory_space<vmem>>
      %dma_wait3A_42 = tpu.memref_slice %arg7[%mul3A_36] : memref<10176xi32, #tpu.memory_space<vmem>> -> memref<96xi32, #tpu.memory_space<vmem>>
      %dma_wait3A_43 = arith.constant 0 : i32
      %dma_wait3A_44 = arith.constant 0 : i32
      %dma_wait3A_45 = tpu.memref_slice %arg14[%dma_wait3A_43, %dma_wait3A_44] : memref<128x128xf32, #tpu.memory_space<vmem_shared>> -> memref<128x128xf32, #tpu.memory_space<vmem_shared>>
      %dma_wait3A_46 = tpu.memref_slice %arg10[%dma_wait3A_37] : memref<1x!tpu.dma_semaphore, #tpu.memory_space<semaphore_mem>> -> memref<1x!tpu.dma_semaphore, #tpu.memory_space<semaphore_mem>>
      %dma_wait3A_47 = tpu.memref_squeeze %dma_wait3A_46 : memref<1x!tpu.dma_semaphore, #tpu.memory_space<semaphore_mem>> -> memref<!tpu.dma_semaphore, #tpu.memory_space<semaphore_mem>>
      tpu.wait_indirect_dma semaphore(%dma_wait3A_47 : memref<!tpu.dma_semaphore, #tpu.memory_space<semaphore_mem>>) src(%dma_wait3A_45 : memref<128x128xf32, #tpu.memory_space<vmem_shared>>) dst(%dma_wait3A_41 : memref<96x128xf32, #tpu.memory_space<vmem>>)
      %run_scoped3A = arith.constant 0 : i32
      "tpu.region"() ({
        %run_scoped3A_52 = tpu.sem_alloc : memref<!tpu.dma_semaphore, #tpu.memory_space<semaphore_mem>>
        %dma_start3A_53 = arith.constant 0 : i32
        %dma_start3A_54 = arith.constant 0 : i32
        %dma_start3A_55 = tpu.memref_slice %arg9[%run_scoped3A, %dma_start3A_53, %dma_start3A_54] : memref<1x96x128xf32, #tpu.memory_space<vmem>> -> memref<1x96x128xf32, #tpu.memory_space<vmem>>
        %dma_start3A_56 = tpu.memref_squeeze %dma_start3A_55 : memref<1x96x128xf32, #tpu.memory_space<vmem>> -> memref<96x128xf32, #tpu.memory_space<vmem>>
        %dma_start3A_57 = arith.constant 0 : i32
        %dma_start3A_58 = tpu.memref_slice %arg8[%add3A_34, %dma_start3A_57] : memref<106x96xi32, #tpu.memory_space<vmem>> -> memref<1x96xi32, #tpu.memory_space<vmem>>
        %dma_start3A_59 = tpu.memref_squeeze %dma_start3A_58 : memref<1x96xi32, #tpu.memory_space<vmem>> -> memref<96xi32, #tpu.memory_space<vmem>>
        %dma_start3A_60 = arith.constant 0 : i32
        %dma_start3A_61 = arith.constant 0 : i32
        %dma_start3A_62 = tpu.memref_slice %arg13[%dma_start3A_60, %dma_start3A_61] : memref<10112x128xf32, #tpu.memory_space<vmem_shared>> -> memref<10112x128xf32, #tpu.memory_space<vmem_shared>>
        tpu.enqueue_indirect_dma source(%dma_start3A_56 : memref<96x128xf32, #tpu.memory_space<vmem>>) target(%dma_start3A_62 : memref<10112x128xf32, #tpu.memory_space<vmem_shared>>) offsets(%dma_start3A_59 : memref<96xi32, #tpu.memory_space<vmem>>) semaphore(%run_scoped3A_52 : memref<!tpu.dma_semaphore, #tpu.memory_space<semaphore_mem>>) {add = true}
        %dma_wait3A_63 = arith.constant 0 : i32
        %dma_wait3A_64 = arith.constant 0 : i32
        %dma_wait3A_65 = tpu.memref_slice %arg9[%run_scoped3A, %dma_wait3A_63, %dma_wait3A_64] : memref<1x96x128xf32, #tpu.memory_space<vmem>> -> memref<1x96x128xf32, #tpu.memory_space<vmem>>
        %dma_wait3A_66 = tpu.memref_squeeze %dma_wait3A_65 : memref<1x96x128xf32, #tpu.memory_space<vmem>> -> memref<96x128xf32, #tpu.memory_space<vmem>>
        %dma_wait3A_67 = arith.constant 0 : i32
        %dma_wait3A_68 = tpu.memref_slice %arg8[%add3A_34, %dma_wait3A_67] : memref<106x96xi32, #tpu.memory_space<vmem>> -> memref<1x96xi32, #tpu.memory_space<vmem>>
        %dma_wait3A_69 = tpu.memref_squeeze %dma_wait3A_68 : memref<1x96xi32, #tpu.memory_space<vmem>> -> memref<96xi32, #tpu.memory_space<vmem>>
        %dma_wait3A_70 = arith.constant 0 : i32
        %dma_wait3A_71 = arith.constant 0 : i32
        %dma_wait3A_72 = tpu.memref_slice %arg13[%dma_wait3A_70, %dma_wait3A_71] : memref<10112x128xf32, #tpu.memory_space<vmem_shared>> -> memref<10112x128xf32, #tpu.memory_space<vmem_shared>>
        tpu.wait_indirect_dma semaphore(%run_scoped3A_52 : memref<!tpu.dma_semaphore, #tpu.memory_space<semaphore_mem>>) src(%dma_wait3A_66 : memref<96x128xf32, #tpu.memory_space<vmem>>) dst(%dma_wait3A_72 : memref<10112x128xf32, #tpu.memory_space<vmem_shared>>)
        tpu.yield
      }) : () -> ()
      %add3A_48 = arith.constant 1 : i32
      %add3A_49 = arith.addi %add3A_34, %add3A_48 : i32
      %lt3A = arith.constant 106 : i32
      %lt3A_50 = arith.cmpi slt, %add3A_49, %lt3A : i32
      %convert_element_type3A = arith.extui %lt3A_50 : i1 to i32
      %cond3A = arith.constant 0 : i32
      %cond3A_51 = arith.cmpi ne, %convert_element_type3A, %cond3A : i32
      scf.if %cond3A_51 {
        %add3A_52 = arith.constant 1 : i32
        %add3A_53 = arith.addi %add3A_34, %add3A_52 : i32
        %mul3A_54 = arith.constant 96 : i32
        %mul3A_55 = arith.muli %add3A_53, %mul3A_54 : i32
        %dma_start3A_56 = arith.constant 0 : i32
        %dma_start3A_57 = arith.constant 0 : i32
        %dma_start3A_58 = arith.constant 0 : i32
        %dma_start3A_59 = arith.constant 0 : i32
        %dma_start3A_60 = tpu.memref_slice %arg9[%dma_start3A_56, %dma_start3A_58, %dma_start3A_59] : memref<1x96x128xf32, #tpu.memory_space<vmem>> -> memref<1x96x128xf32, #tpu.memory_space<vmem>>
        %dma_start3A_61 = tpu.memref_squeeze %dma_start3A_60 : memref<1x96x128xf32, #tpu.memory_space<vmem>> -> memref<96x128xf32, #tpu.memory_space<vmem>>
        %dma_start3A_62 = tpu.memref_slice %arg7[%mul3A_55] : memref<10176xi32, #tpu.memory_space<vmem>> -> memref<96xi32, #tpu.memory_space<vmem>>
        %dma_start3A_63 = arith.constant 0 : i32
        %dma_start3A_64 = arith.constant 0 : i32
        %dma_start3A_65 = tpu.memref_slice %arg14[%dma_start3A_63, %dma_start3A_64] : memref<128x128xf32, #tpu.memory_space<vmem_shared>> -> memref<128x128xf32, #tpu.memory_space<vmem_shared>>
        %dma_start3A_66 = tpu.memref_slice %arg10[%dma_start3A_57] : memref<1x!tpu.dma_semaphore, #tpu.memory_space<semaphore_mem>> -> memref<1x!tpu.dma_semaphore, #tpu.memory_space<semaphore_mem>>
        %dma_start3A_67 = tpu.memref_squeeze %dma_start3A_66 : memref<1x!tpu.dma_semaphore, #tpu.memory_space<semaphore_mem>> -> memref<!tpu.dma_semaphore, #tpu.memory_space<semaphore_mem>>
        tpu.enqueue_indirect_dma source(%dma_start3A_65 : memref<128x128xf32, #tpu.memory_space<vmem_shared>>) target(%dma_start3A_61 : memref<96x128xf32, #tpu.memory_space<vmem>>) offsets(%dma_start3A_62 : memref<96xi32, #tpu.memory_space<vmem>>) semaphore(%dma_start3A_67 : memref<!tpu.dma_semaphore, #tpu.memory_space<semaphore_mem>>)
      } else {
      }
    }
    %scan3A_25 = arith.constant 106 : i32
    %barrier3A_26 = arith.constant 0 : index
    tpu.barrier barrier_id(%barrier3A_26)
    %mul3A_27 = arith.constant 632 : i32
    %mul3A_28 = arith.muli %arg1, %mul3A_27 : i32
    %mul3A_29 = arith.constant 632 : i32
    %mul3A_30 = arith.muli %arg1, %mul3A_29 : i32
    "tpu.region"() ({
      %run_scoped3A = tpu.sem_alloc : memref<!tpu.dma_semaphore, #tpu.memory_space<semaphore_mem>>
      %dma_start3A_31 = arith.constant 0 : i32
      %dma_start3A_32 = tpu.memref_slice %arg6[%arg0, %mul3A_30, %dma_start3A_31] : memref<2x10112x128xf32, #tpu.memory_space<hbm>> -> memref<1x632x128xf32, #tpu.memory_space<hbm>>
      %dma_start3A_33 = tpu.memref_squeeze %dma_start3A_32 : memref<1x632x128xf32, #tpu.memory_space<hbm>> -> memref<632x128xf32, #tpu.memory_space<hbm>>
      %dma_start3A_34 = arith.constant 0 : i32
      %dma_start3A_35 = tpu.memref_slice %arg13[%mul3A_28, %dma_start3A_34] : memref<10112x128xf32, #tpu.memory_space<vmem_shared>> -> memref<632x128xf32, #tpu.memory_space<vmem_shared>>
      tpu.enqueue_dma source(%dma_start3A_35 : memref<632x128xf32, #tpu.memory_space<vmem_shared>>) target(%dma_start3A_33 : memref<632x128xf32, #tpu.memory_space<hbm>>) target_semaphore(%run_scoped3A : memref<!tpu.dma_semaphore, #tpu.memory_space<semaphore_mem>>)
      %dma_wait3A = arith.constant 0 : i32
      %dma_wait3A_36 = tpu.memref_slice %arg6[%arg0, %mul3A_30, %dma_wait3A] : memref<2x10112x128xf32, #tpu.memory_space<hbm>> -> memref<1x632x128xf32, #tpu.memory_space<hbm>>
      %dma_wait3A_37 = tpu.memref_squeeze %dma_wait3A_36 : memref<1x632x128xf32, #tpu.memory_space<hbm>> -> memref<632x128xf32, #tpu.memory_space<hbm>>
      %dma_wait3A_38 = arith.constant 0 : i32
      %dma_wait3A_39 = tpu.memref_slice %arg13[%mul3A_28, %dma_wait3A_38] : memref<10112x128xf32, #tpu.memory_space<vmem_shared>> -> memref<632x128xf32, #tpu.memory_space<vmem_shared>>
      tpu.wait_dma2 semaphore(%run_scoped3A : memref<!tpu.dma_semaphore, #tpu.memory_space<semaphore_mem>>) src(%dma_wait3A_39 : memref<632x128xf32, #tpu.memory_space<vmem_shared>>) dst(%dma_wait3A_37 : memref<632x128xf32, #tpu.memory_space<hbm>>)
      tpu.yield
    }) : () -> ()
    return
  }
}

module attributes {stable_mosaic.version = 14 : i64} {
  func.func @_tc_dense_body(%arg0: i32, %arg1: memref<2x1000x128xf32, #tpu.memory_space<vmem>>, %arg2: memref<1000x256xf32, #tpu.memory_space<vmem>>, %arg3: memref<256x256xf32, #tpu.memory_space<vmem>>, %arg4: memref<768x256xf32, #tpu.memory_space<vmem>>, %arg5: memref<1x768xf32, #tpu.memory_space<vmem>>, %arg6: memref<768x256xf32, #tpu.memory_space<vmem>>, %arg7: memref<1x768xf32, #tpu.memory_space<vmem>>, %arg8: memref<1000x256xf32, #tpu.memory_space<vmem>>) attributes {dimension_semantics = [#tpu.dimension_semantics<arbitrary>], iteration_bounds = array<i64: 10>, scalar_prefetch = 0 : i64, scratch_operands = 0 : i64, tpu.core_type = #tpu.core_type<tc>, window_params = [{transform_indices = @transform_0, window_bounds = array<i64: 2, 1000, 128>}, {transform_indices = @transform_1, window_bounds = array<i64: 1000, 256>}, {pipeline_mode = #tpu.pipeline_mode<synchronous>, transform_indices = @transform_2, window_bounds = array<i64: 256, 256>}, {pipeline_mode = #tpu.pipeline_mode<synchronous>, transform_indices = @transform_3, window_bounds = array<i64: 768, 256>}, {pipeline_mode = #tpu.pipeline_mode<synchronous>, transform_indices = @transform_4, window_bounds = array<i64: 1, 768>}, {pipeline_mode = #tpu.pipeline_mode<synchronous>, transform_indices = @transform_5, window_bounds = array<i64: 768, 256>}, {pipeline_mode = #tpu.pipeline_mode<synchronous>, transform_indices = @transform_6, window_bounds = array<i64: 1, 768>}, {transform_indices = @transform_7, window_bounds = array<i64: 1000, 256>}]} {
    %get3A = arith.constant 0 : index
    %get3A_0 = arith.constant 0 : index
    %get3A_1 = arith.constant 0 : index
    %get3A_2 = vector.load %arg1[%get3A, %get3A_0, %get3A_1] : memref<2x1000x128xf32, #tpu.memory_space<vmem>>, vector<1x1000x128xf32>
    %get3A_3 = vector.shape_cast %get3A_2 : vector<1x1000x128xf32> to vector<1000x128xf32>
    %get3A_4 = arith.constant 1 : index
    %get3A_5 = arith.constant 0 : index
    %get3A_6 = arith.constant 0 : index
    %get3A_7 = vector.load %arg1[%get3A_4, %get3A_5, %get3A_6] : memref<2x1000x128xf32, #tpu.memory_space<vmem>>, vector<1x1000x128xf32>
    %get3A_8 = vector.shape_cast %get3A_7 : vector<1x1000x128xf32> to vector<1000x128xf32>
    %get3A_9 = arith.constant 0 : index
    %get3A_10 = arith.constant 0 : index
    %get3A_11 = vector.load %arg3[%get3A_9, %get3A_10] : memref<256x256xf32, #tpu.memory_space<vmem>>, vector<256x256xf32>
    %slice3A = vector.extract_strided_slice %get3A_11 {offsets = [0, 0], sizes = [256, 128], strides = [1, 1]} : vector<256x256xf32> to vector<256x128xf32>
    %dot_general3A = arith.constant dense<0.000000e+00> : vector<1000x256xf32>
    %dot_general3A_12 = tpu.matmul %get3A_3, %slice3A, %dot_general3A {dimension_numbers = #tpu.dot_dimension_numbers<[1], [1], [0], [0], [0, 0, 1, 0], [], []>, transpose_lhs_hint = false} : vector<1000x128xf32>, vector<256x128xf32>, vector<1000x256xf32> -> vector<1000x256xf32>
    %slice3A_13 = vector.extract_strided_slice %get3A_11 {offsets = [0, 128], sizes = [256, 128], strides = [1, 1]} : vector<256x256xf32> to vector<256x128xf32>
    %dot_general3A_14 = arith.constant dense<0.000000e+00> : vector<1000x256xf32>
    %dot_general3A_15 = tpu.matmul %get3A_8, %slice3A_13, %dot_general3A_14 {dimension_numbers = #tpu.dot_dimension_numbers<[1], [1], [0], [0], [0, 0, 1, 0], [], []>, transpose_lhs_hint = false} : vector<1000x128xf32>, vector<256x128xf32>, vector<1000x256xf32> -> vector<1000x256xf32>
    %add3A = arith.addf %dot_general3A_12, %dot_general3A_15 : vector<1000x256xf32>
    %get3A_16 = arith.constant 0 : index
    %get3A_17 = arith.constant 0 : index
    %get3A_18 = vector.load %arg2[%get3A_16, %get3A_17] : memref<1000x256xf32, #tpu.memory_space<vmem>>, vector<1000x256xf32>
    %get3A_19 = arith.constant 0 : index
    %get3A_20 = arith.constant 0 : index
    %get3A_21 = vector.load %arg4[%get3A_19, %get3A_20] : memref<768x256xf32, #tpu.memory_space<vmem>>, vector<768x256xf32>
    %dot_general3A_22 = arith.constant dense<0.000000e+00> : vector<1000x768xf32>
    %dot_general3A_23 = tpu.matmul %add3A, %get3A_21, %dot_general3A_22 {dimension_numbers = #tpu.dot_dimension_numbers<[1], [1], [0], [0], [0, 0, 1, 0], [], []>, transpose_lhs_hint = false} : vector<1000x256xf32>, vector<768x256xf32>, vector<1000x768xf32> -> vector<1000x768xf32>
    %get3A_24 = arith.constant 0 : index
    %get3A_25 = arith.constant 0 : index
    %get3A_26 = vector.load %arg5[%get3A_24, %get3A_25] : memref<1x768xf32, #tpu.memory_space<vmem>>, vector<1x768xf32>
    %add3A_27 = vector.broadcast %get3A_26 : vector<1x768xf32> to vector<1000x768xf32>
    %add3A_28 = arith.addf %dot_general3A_23, %add3A_27 : vector<1000x768xf32>
    %get3A_29 = arith.constant 0 : index
    %get3A_30 = arith.constant 0 : index
    %get3A_31 = vector.load %arg6[%get3A_29, %get3A_30] : memref<768x256xf32, #tpu.memory_space<vmem>>, vector<768x256xf32>
    %dot_general3A_32 = arith.constant dense<0.000000e+00> : vector<1000x768xf32>
    %dot_general3A_33 = tpu.matmul %get3A_18, %get3A_31, %dot_general3A_32 {dimension_numbers = #tpu.dot_dimension_numbers<[1], [1], [0], [0], [0, 0, 1, 0], [], []>, transpose_lhs_hint = false} : vector<1000x256xf32>, vector<768x256xf32>, vector<1000x768xf32> -> vector<1000x768xf32>
    %get3A_34 = arith.constant 0 : index
    %get3A_35 = arith.constant 0 : index
    %get3A_36 = vector.load %arg7[%get3A_34, %get3A_35] : memref<1x768xf32, #tpu.memory_space<vmem>>, vector<1x768xf32>
    %add3A_37 = vector.broadcast %get3A_36 : vector<1x768xf32> to vector<1000x768xf32>
    %add3A_38 = arith.addf %dot_general3A_33, %add3A_37 : vector<1000x768xf32>
    %slice3A_39 = vector.extract_strided_slice %add3A_28 {offsets = [0, 0], sizes = [1000, 256], strides = [1, 1]} : vector<1000x768xf32> to vector<1000x256xf32>
    %slice3A_40 = vector.extract_strided_slice %add3A_38 {offsets = [0, 0], sizes = [1000, 256], strides = [1, 1]} : vector<1000x768xf32> to vector<1000x256xf32>
    %add3A_41 = arith.addf %slice3A_39, %slice3A_40 : vector<1000x256xf32>
    %logistic3A = arith.negf %add3A_41 : vector<1000x256xf32>
    %logistic3A_42 = math.exp %logistic3A : vector<1000x256xf32>
    %logistic3A_43 = arith.constant 1.000000e+00 : f32
    %logistic3A_44 = vector.broadcast %logistic3A_43 : f32 to vector<1000x256xf32>
    %logistic3A_45 = arith.addf %logistic3A_44, %logistic3A_42 : vector<1000x256xf32>
    %logistic3A_46 = arith.divf %logistic3A_44, %logistic3A_45 : vector<1000x256xf32>
    %slice3A_47 = vector.extract_strided_slice %add3A_28 {offsets = [0, 256], sizes = [1000, 256], strides = [1, 1]} : vector<1000x768xf32> to vector<1000x256xf32>
    %slice3A_48 = vector.extract_strided_slice %add3A_38 {offsets = [0, 256], sizes = [1000, 256], strides = [1, 1]} : vector<1000x768xf32> to vector<1000x256xf32>
    %add3A_49 = arith.addf %slice3A_47, %slice3A_48 : vector<1000x256xf32>
    %logistic3A_50 = arith.negf %add3A_49 : vector<1000x256xf32>
    %logistic3A_51 = math.exp %logistic3A_50 : vector<1000x256xf32>
    %logistic3A_52 = arith.constant 1.000000e+00 : f32
    %logistic3A_53 = vector.broadcast %logistic3A_52 : f32 to vector<1000x256xf32>
    %logistic3A_54 = arith.addf %logistic3A_53, %logistic3A_51 : vector<1000x256xf32>
    %logistic3A_55 = arith.divf %logistic3A_53, %logistic3A_54 : vector<1000x256xf32>
    %slice3A_56 = vector.extract_strided_slice %add3A_28 {offsets = [0, 512], sizes = [1000, 256], strides = [1, 1]} : vector<1000x768xf32> to vector<1000x256xf32>
    %slice3A_57 = vector.extract_strided_slice %add3A_38 {offsets = [0, 512], sizes = [1000, 256], strides = [1, 1]} : vector<1000x768xf32> to vector<1000x256xf32>
    %mul3A = arith.mulf %logistic3A_46, %slice3A_57 : vector<1000x256xf32>
    %add3A_58 = arith.addf %slice3A_56, %mul3A : vector<1000x256xf32>
    %tanh3A = math.tanh %add3A_58 : vector<1000x256xf32>
    %sub3A = arith.constant 1.000000e+00 : f32
    %sub3A_59 = vector.broadcast %sub3A : f32 to vector<1000x256xf32>
    %sub3A_60 = arith.subf %sub3A_59, %logistic3A_55 : vector<1000x256xf32>
    %mul3A_61 = arith.mulf %sub3A_60, %tanh3A : vector<1000x256xf32>
    %mul3A_62 = arith.mulf %logistic3A_55, %get3A_18 : vector<1000x256xf32>
    %add3A_63 = arith.addf %mul3A_61, %mul3A_62 : vector<1000x256xf32>
    %swap3A = arith.constant 0 : index
    %swap3A_64 = arith.constant 0 : index
    %swap3A_65 = vector.load %arg8[%swap3A, %swap3A_64] : memref<1000x256xf32, #tpu.memory_space<vmem>>, vector<1000x256xf32>
    tpu.vector_store %arg8[%swap3A, %swap3A_64], %add3A_63 {strides = array<i32>} : memref<1000x256xf32, #tpu.memory_space<vmem>>, vector<1000x256xf32>,
    return
  }
  func.func @transform_0(%arg0: i32) -> (i32, i32, i32) {
    %c0_i32 = arith.constant 0 : i32
    %c0_i32_0 = arith.constant 0 : i32
    %c0_i32_1 = arith.constant 0 : i32
    return %c0_i32, %arg0, %c0_i32_0 : i32, i32, i32
  }
  func.func @transform_1(%arg0: i32) -> (i32, i32) {
    %c0_i32 = arith.constant 0 : i32
    %c0_i32_0 = arith.constant 0 : i32
    return %arg0, %c0_i32 : i32, i32
  }
  func.func @transform_2(%arg0: i32) -> (i32, i32) {
    %c0_i32 = arith.constant 0 : i32
    %c0_i32_0 = arith.constant 0 : i32
    %c0_i32_1 = arith.constant 0 : i32
    return %c0_i32, %c0_i32_0 : i32, i32
  }
  func.func @transform_3(%arg0: i32) -> (i32, i32) {
    %c0_i32 = arith.constant 0 : i32
    %c0_i32_0 = arith.constant 0 : i32
    %c0_i32_1 = arith.constant 0 : i32
    return %c0_i32, %c0_i32_0 : i32, i32
  }
  func.func @transform_4(%arg0: i32) -> (i32, i32) {
    %c0_i32 = arith.constant 0 : i32
    %c0_i32_0 = arith.constant 0 : i32
    %c0_i32_1 = arith.constant 0 : i32
    return %c0_i32, %c0_i32_0 : i32, i32
  }
  func.func @transform_5(%arg0: i32) -> (i32, i32) {
    %c0_i32 = arith.constant 0 : i32
    %c0_i32_0 = arith.constant 0 : i32
    %c0_i32_1 = arith.constant 0 : i32
    return %c0_i32, %c0_i32_0 : i32, i32
  }
  func.func @transform_6(%arg0: i32) -> (i32, i32) {
    %c0_i32 = arith.constant 0 : i32
    %c0_i32_0 = arith.constant 0 : i32
    %c0_i32_1 = arith.constant 0 : i32
    return %c0_i32, %c0_i32_0 : i32, i32
  }
  func.func @transform_7(%arg0: i32) -> (i32, i32) {
    %c0_i32 = arith.constant 0 : i32
    %c0_i32_0 = arith.constant 0 : i32
    return %arg0, %c0_i32 : i32, i32
  }
}

</mosaic_0001>

<sc_bundles>
// kernel: kernel.4.cloned.1.call-start
scs
__scs_entry_jumppad:
0x0: {  	(pc) =	sbr.rel $0x88, $3  }
0x1: {  	(tag) =	ssettag $0x0;
	lr =	simm.s32 $0x1  }
0x2: {  	[smem:$0x3F99] =	sst lr;
	_ =	strace $0xD0000000  }
0x3: {  	_ = 	snop  }
0x4: {  	_ = 	snop  }
0x5: {  	_ = 	snop  }
0x6: {  	_ = 	snop  }
0x7: {  	_ = 	snop  }
__scs_overlays_trampoline_lowered:
0x8: {  	[smem:$0x3FA8] =	sst s0  }
0x9: {  	[smem:$0x3FA9] =	sst s1  }
0xa: {  	[smem:$0x3FAA] =	sst s2  }
0xb: {  	[smem:$0x3FAB] =	sst s3  }
0xc: {  	[smem:$0x3FAC] =	sst s4  }
0xd: {  	[smem:$0x3FAD] =	sst s5  }
0xe: {  	[smem:$0x3FAE] =	sst s6  }
0xf: {  	[smem:$0x3FAF] =	sst s7  }
0x10: {  	[smem:$0x3FB0] =	sst s8  }
0x11: {  	[smem:$0x3FB1] =	sst s9;
	s0 =	simm.s32 @!p0 $0x0  }
0x12: {  	s1 =	sld [smem:$0x3F97];
	s0 =	simm.s32 @p0 $0x1  }
0x13: {  	[smem:$0x3FB2] =	sst s0;
	s0 =	simm.s32 @!p1 $0x0  }
0x14: {  	s2 =	sld [smem:$0x3F96];
	s0 =	simm.s32 @p1 $0x1  }
0x15: {  	[smem:$0x3FB3] =	sst s0;
	s0 =	simm.s32 @!p2 $0x0  }
0x16: {  	s3 =	sld [smem:$0x3FDB];
	s0 =	simm.s32 @p2 $0x1  }
0x17: {  	s4 =	simm.s32 $0x1BF5;
	[smem:$0x3FB5] =	sst s0  }
0x18: {  	s0 =	sld [smem:$0x3F98];
	_ =	swait.ge [sflag:s4], $0x0  }
0x19: {  	s7 =	sld [smem:$0x3F99]  }
0x1a: {  	s8 =	sadd.s32 $0xFFFFE003, lr  }
0x1b: {  	s9 =	sadd.s32 $0xFFFFFEF7, lr;
	s5 =	simm.s32 $0xFFFFFFFF;
	p2 =	slt.u32 s8, $0xFFFFF086  }
0x1c: {  	p1 =	slt.u32 s9, $0xF7A;
	s5 =	simm.s32 @!p2 $0x0  }
0x1d: {  	s5 =	simm.s32 @p1 $0x1;
	p0 =	seq.s32 s7, s2  }
0x1e: {  	s7 =	smul.u32 @!p0 $0xF7A, s2;
	p2 =	seq.s32 @!p0 s5, $0x0  }
0x1f: {  	s9 =	smul.u32 $0xF7A, s1;
	s8 =	simm.s32 @!p0 $0x1BF5;
	p2 =	por !p2, p0  }
0x20: {  	[sflag:s8] =	ssyncset.s32 @!p0 $0xFFFFF086;
	s6 =	sadd.s32 @!p0 s3, s7;
	s7 =	simm.s32 @!p0 $0x108  }
0x21: {  	s3 =	sadd.s32 s3, s9;
	s6 =	sadd.s32 @!p0 $0x88, s6;
	s7 =	simm.s32 @p2 $0x1082  }
0x22: {  	[simem:s7], [sflag:s8] =	dma.local @!p0 [hbm:s6], $0xF7A  }
0x23: {  	s9 =	sor.u32 $0xD0000000, s2;
	s6 =	simm.s32 $0x108;
	_ =	swait.ge @!p0 [sflag:s8], $0x0  }
0x24: {  	s3 =	sadd.s32 $0x88, s3;
	s6 =	simm.s32 @!p1 $0x1082;
	[sflag:s4] =	ssyncset.s32 $0xFFFFF086  }
0x25: {  	[simem:s6], [sflag:s4] =	dma.local [hbm:s3], $0xF7A  }
0x26: {  	[smem:$0x3F99] =	sst s1;
	(tag) =	ssettag s2;
	_ =	strace s9  }
0x27: {  	s1 =	sld [smem:$0x3FA9]  }
0x28: {  	s2 =	sld [smem:$0x3FAA]  }
0x29: {  	s4 =	sld [smem:$0x3FAC]  }
0x2a: {  	p0 =	seq.s32 s5, $0x0;
	s5 =	sld [smem:$0x3FAD]  }
0x2b: {  	s6 =	sld [smem:$0x3FAE]  }
0x2c: {  	s7 =	sld [smem:$0x3FAF]  }
0x2d: {  	s3 =	simm.s32 $0x108;
	s8 =	sld [smem:$0x3FB0]  }
0x2e: {  	s3 =	simm.s32 @!p0 $0x1082;
	s9 =	sld [smem:$0x3FB1]  }
0x2f: {  	lr =	sadd.s32 s0, s3;
	s0 =	sld [smem:$0x3FA8]  }
0x30: {  	s3 =	sld [smem:$0x3FAB]  }
0x31: {  	[smem:$0x3FB4] =	sst s10  }
0x32: {  	s10 =	sld [smem:$0x3FB2];
	_ =	sdelay $0x3  }
0x33: {  	p0 =	seq.s32 s10, $0x1;
	s10 =	sld [smem:$0x3FB4];
	_ =	sdelay $0x3  }
0x34: {  	[smem:$0x3FB4] =	sst s10  }
0x35: {  	s10 =	sld [smem:$0x3FB3];
	_ =	sdelay $0x3  }
0x36: {  	p1 =	seq.s32 s10, $0x1;
	s10 =	sld [smem:$0x3FB4];
	_ =	sdelay $0x3  }
0x37: {  	[smem:$0x3FB4] =	sst s10  }
0x38: {  	s10 =	sld [smem:$0x3FB5]  }
0x39: {  	_ = 	snop;
	(pc) =	sbr.ind lr, $3  }
0x3a: {  	_ = 	snop  }
0x3b: {  	_ = 	snop  }
0x3c: {  	p2 =	seq.s32 s10, $0x1;
	s10 =	sld [smem:$0x3FB4]  }
0x3d: {  	_ =	shalt  }
0x3e: {  	_ =	shalt  }
0x3f: {  	_ =	shalt  }
0x40: {  	_ =	shalt  }
0x41: {  	_ =	shalt  }
0x42: {  	_ =	shalt  }
0x43: {  	_ =	shalt  }
0x44: {  	_ =	shalt  }
0x45: {  	_ =	shalt  }
0x46: {  	_ =	shalt  }
0x47: {  	_ =	shalt  }
0x48: {  	_ =	shalt  }
0x49: {  	_ =	shalt  }
0x4a: {  	_ =	shalt  }
0x4b: {  	_ =	shalt  }
0x4c: {  	_ =	shalt  }
0x4d: {  	_ =	shalt  }
0x4e: {  	_ =	shalt  }
0x4f: {  	_ =	shalt  }
0x50: {  	_ =	shalt  }
0x51: {  	_ =	shalt  }
0x52: {  	_ =	shalt  }
0x53: {  	_ =	shalt  }
0x54: {  	_ =	shalt  }
0x55: {  	_ =	shalt  }
0x56: {  	_ =	shalt  }
0x57: {  	_ =	shalt  }
0x58: {  	_ =	shalt  }
0x59: {  	_ =	shalt  }
0x5a: {  	_ =	shalt  }
0x5b: {  	_ =	shalt  }
0x5c: {  	_ =	shalt  }
0x5d: {  	_ =	shalt  }
0x5e: {  	_ =	shalt  }
0x5f: {  	_ =	shalt  }
0x60: {  	_ =	shalt  }
0x61: {  	_ =	shalt  }
0x62: {  	_ =	shalt  }
0x63: {  	_ =	shalt  }
0x64: {  	_ =	shalt  }
0x65: {  	_ =	shalt  }
0x66: {  	_ =	shalt  }
0x67: {  	_ =	shalt  }
0x68: {  	_ =	shalt  }
0x69: {  	_ =	shalt  }
0x6a: {  	_ =	shalt  }
0x6b: {  	_ =	shalt  }
0x6c: {  	_ =	shalt  }
0x6d: {  	_ =	shalt  }
0x6e: {  	_ =	shalt  }
0x6f: {  	_ =	shalt  }
0x70: {  	_ =	shalt  }
0x71: {  	_ =	shalt  }
0x72: {  	_ =	shalt  }
0x73: {  	_ =	shalt  }
0x74: {  	_ =	shalt  }
0x75: {  	_ =	shalt  }
0x76: {  	_ =	shalt  }
0x77: {  	_ =	shalt  }
0x78: {  	_ =	shalt  }
0x79: {  	_ =	shalt  }
0x7a: {  	_ =	shalt  }
0x7b: {  	_ =	shalt  }
0x7c: {  	_ =	shalt  }
0x7d: {  	_ =	shalt  }
0x7e: {  	_ =	shalt  }
0x7f: {  	_ =	shalt  }
0x80: {  	_ =	shalt  }
0x81: {  	_ =	shalt  }
0x82: {  	_ =	shalt  }
0x83: {  	_ =	shalt  }
0x84: {  	_ =	shalt  }
0x85: {  	_ =	shalt  }
0x86: {  	_ =	shalt  }
0x87: {  	_ =	shalt  }
.Lfunc_end0:
.L_simem_size_0:
called_computation_lowered:
.L_overlay_start_0:
0x88: {  	s2 =	sld [smem:$0x3FD9]  }
0x89: {  	s3 =	sld [smem:$0x3FFE];
	_ =	sdelay $0x1  }
0x8a: {  	s1 =	srdreg.scid  }
0x8b: {  	s0 =	sand.u32 $0x1, s1  }
0x8c: {  	s14 =	sshll.u32 s0, $0xA;
	s2 =	sadd.s32 s3, s2  }
0x8d: {  	s2 =	sadd.s32 s2, s14  }
0x8e: {  	[smem:$0x3FC0] =	sst s2  }
0x8f: {  	_ = 	snop  }
0x90: {  	s2 =	sld [smem:$0x3FD0];
	_ =	sdelay $0x2  }
0x91: {  	s15 =	simm.s32 $0xA;
	s4 =	simm.s32 $0x10  }
0x92: {  	[smem:s4], [sflag:s15] =	dma.local [hbm:s2], $0x1  }
0x93: {  	_ =	swait.eq [sflag:s15], $0x1  }
0x94: {  	[sflag:s15] =	ssyncset.done $0x0  }
0x95: {  	[sflag:s15] =	ssyncadd.s32 $0xFFFFFFFF  }
0x96: {  	s16 =	sld [smem:$0x10];
	(tm) =	ssettm $0x1  }
0x97: {  	s17 =	sld [smem:$0x3FFB];
	_ =	sdelay $0x3  }
0x98: {  	_ =	strace s17  }
0x99: {  	s3 =	sld [smem:$0x3FFC];
	_ =	sdelay $0x3  }
0x9a: {  	_ =	strace s3  }
0x9b: {  	s3 =	sld [smem:$0x3FFD];
	_ =	sdelay $0x3  }
0x9c: {  	_ =	strace s3  }
0x9d: {  	_ =	strace $0x8FFFFFFF  }
0x9e: {  	s18 =	sld [smem:$0x3FDB];
	_ =	sdelay $0x1  }
0x9f: {  	s19 =	simm.s32 $_scs_section_size  }
0xa0: {  	s5 =	simm.s32 $_size__tile_overlayer_lowered;
	s6 =	simm.s32 $_tile_overlayer_lowered  }
0xa1: {  	s22 =	simm.s32 $0x1BFF;
	s21 =	sshll.u32 s6, $0x1;
	s3 =	sadd.s32 s19, s18  }
0xa2: {  	s7 =	simm.s32 $0x0;
	s20 =	sshll.u32 s5, $0x1;
	s5 =	sadd.s32 s21, s3  }
0xa3: {  	[timem:s7], [sflag:s22] =	dma.local [hbm:s5], s20  }
0xa4: {  	_ =	swait.ge [sflag:s22], s20  }
0xa5: {  	s4 =	ssub.s32 $0x0, s20;
	[sflag:s22] =	ssyncset.done $0x0  }
0xa6: {  	[sflag:s22] =	ssyncadd.s32 s4;
	_ =	sdelay $0x1  }
0xa7: {  	s23 =	simm.s32 $0x1B8B  }
0xa8: {  	_ =	swait.ge [sflag:s23], $0x1  }
0xa9: {  	[sflag:s23] =	ssyncset.done $0x0  }
0xaa: {  	s25 =	simm.s32 $0x1B8E;
	s24 =	sld [smem:$0x3FFE];
	[sflag:s23] =	ssyncadd.s32 $0xFFFFFFFF  }
0xab: {  	s26 =	simm.s32 $execute0_lowered;
	[smem:$0x3FD2] =	sst s25  }
0xac: {  	s5 =	sshll.u32 s26, $0x1;
	_ =	strace $0x80000046;
	[dreg:$0x1] =	wrdreg $0xFFFFFFFF  }
0xad: {  	s28 =	simm.s32 $_size_execute0_lowered;
	s3 =	sadd.s32 s3, s5;
	[dreg:$0x0] =	wrdreg $0x0  }
0xae: {  	s5 =	sshll.u32 s28, $0x1;
	[dreg:$0x2] =	wrdreg s3  }
0xaf: {  	[dreg:$0x3] =	wrdreg s5  }
0xb0: {  	[dreg:$0x4] =	wrdreg $0xC0  }
0xb1: {  	_ =	task [dreg:s7], $0x5FFFF  }
0xb2: {  	[dreg:$0x1] =	wrdreg $0xFFFFFFFF  }
0xb3: {  	[dreg:$0x0] =	wrdreg $0x60  }
0xb4: {  	[dreg:$0x2] =	wrdreg s24  }
0xb5: {  	[dreg:$0x3] =	wrdreg s16  }
0xb6: {  	[dreg:$0x4] =	wrdreg $0x90000  }
0xb7: {  	[dreg:$0x5] =	wrdreg $0x1CC000  }
0xb8: {  	[dreg:$0x6] =	wrdreg $0x9  }
0xb9: {  	_ =	task.clear_ibuf [dreg:s7], $0x7FFFF;
	_ =	strace $0x90000046  }
0xba: {  	s29 =	simm.s32 $0x9;
	_ =	strace $0x80000048  }
0xbb: {  	_ =	swait.ge [sflag:s29], $0x1  }
0xbc: {  	[sflag:s29] =	ssyncadd.s32 $0xFFFFFFFF  }
0xbd: {  	_ =	strace $0x90000048  }
0xbe: {  	_ =	sfence  }
0xbf: {  	s30 =	sld [smem:$0x0];
	_ =	sdelay $0x2  }
0xc0: {  	s31 =	sshll.u32 s1, $0xD;
	s1 =	sshrl.u32 s1, $0x2  }
0xc1: {  	s3 =	sand.u32 $0x4000, s31;
	s1 =	sadd.s32 s1, s30  }
0xc2: {  	s0 =	sor.u32 s3, s0;
	s1 =	sshll.u32 s1, $0x11  }
0xc3: {  	s0 =	sor.u32 s1, s0  }
0xc4: {  	s0 =	sadd.s32 $0x8F2B, s0  }
0xc5: {  	[sflag:s0] =	ssyncadd.remote.s32 $0x1  }
0xc6: {  	_ =	sfence.sel $0xFFFF  }
0xc7: {  	[dreg:$0x0] =	wrdreg $0xFFFFFFFF;
	(pc) =	sbr.abs _section_cstart, $3  }
0xc8: {  	[dreg:$0x1] =	wrdreg $0xFFFFFFFF  }
0xc9: {  	_ =	task.clear_ibuf [dreg:s7], $0x2FFFF;
	_ =	strace $0x9FFFFFFF  }
0xca: {  	(tm) =	ssettm $0x7FFFFFFF  }
0xcb: {  	_ =	shalt  }
tec
execute0_lowered:
.L_overlay_start_1:
0x0: {  	(tag) =	ssettag $0x1  }
0x1: {  	s6 =	rddreg [dreg:$0x0]  }
0x2: {  	s8 =	rddreg [dreg:$0x1];
	s0 =	stileid.u32  }
0x3: {  	s1 =	srdreg.scid;
	s2 =	rddreg [dreg:$0x2]  }
0x4: {  	s3 =	rddreg [dreg:$0x3];
	s5 =	smul.u32 $0x4F8, s0  }
0x5: {  	s4 =	simm.s32 $0x0;
	s16 =	simm.s32 $0x1;
	s10 =	smul.u32 $0x13C00, s0  }
0x6: {  	s17 =	simm.s32 $0x5C80;
	s18 =	simm.s32 $0x0;
	s30 =	smul.u32 $0x4F000, s0  }
0x7: {  	s7 =	sand.u32 $0x1, s1;
	s1 =	rddreg [dreg:$0x4];
	s13 =	smul.u32 $0x700, s0  }
0x8: {  	[smem:$0x7FF] =	sst s4;
	s12 =	sshll.u32 s0, $0x6;
	s9 =	smul.u32 $0x13C000, s7  }
0x9: {  	_ =	strace $0x80000047;
	s7 =	ssub.s32 $0x2, s7;
	s11 =	sadd.s32 s5, s6  }
0xa: {  	s5 =	sadd.s32 $0x6600, s6;
	s31 =	sshrl.u32 s7, $0x1;
	s8 =	sadd.s32 s8, s13  }
0xb: {  	s13 =	simm.s32 $0x2800;
	s29 =	sadd.s32 s10, s9;
	s10 =	sshrl.u32 s30, $0x2  }
0xc: {  	s14 =	ssub.s32 s7, s31;
	s7 =	sadd.s32 $0x1600, s11;
	s9 =	sshrl.u32 s29, $0x3  }
0xd: {  	s15 =	sadd.s32 s10, s2;
	s10 =	smax.u32 s14, $0x1;
	s14 =	simm.s32 $0x60  }
0xe: {  	s9 =	sadd.s32 s9, s6;
	s6 =	sor.u32 $0x1C02, s12;
	s11 =	sshrl.u32 s15, $0x3  }
0xf: {  	s12 =	simm.s32 $0x2;
	s15 =	simm.s32 $0x6000;
	s9 =	sadd.s32 $0x8E00, s9  }
.LBB2_1:
0x10: {  	[spmem:s11], [sflag:s6] =	dma.local [hbm:s5], $0x2780  }
0x11: {  	_ =	swait.ge [sflag:s12], $0x2780  }
0x12: {  	[sflag:s12] =	ssyncset.done $0x0  }
0x13: {  	[sflag:s12] =	ssyncadd.s32 $0xFFFFD880  }
0x14: {  	[tilespmem:s4], [sflag:$0x2] =	stream.linear.gather [hbm4b:s7+s4], $0x27C0, $0x38;
	[tilespmem:$0x1D000] =	vst v63  }
0x15: {  	_ =	swait.ge [sflag:s12], $0x27C0  }
0x16: {  	[sflag:s12] =	ssyncset.done $0x0  }
0x17: {  	[sflag:s12] =	ssyncadd.s32 $0xFFFFD840  }
0x18: {  	[tilespmem:s13], [sflag:$0x2] =	stream.linear.gather [hbm4b:s8+s4], $0x3500, $0x38;
	[tilespmem:$0x1D000] =	vst v63  }
0x19: {  	_ =	swait.ge [sflag:s12], $0x3500  }
0x1a: {  	[sflag:s12] =	ssyncset.done $0x0  }
0x1b: {  	s19 =	simm.s32 $0x0;
	s20 =	simm.s32 $0x40;
	[sflag:s12] =	ssyncadd.s32 $0xFFFFCB00  }
.LBB2_2:
0x1c: {  	p0 =	sne.s32 s20, $0x9EC0;
	v0 =	vld [tilespmem:s19+$0x0];
	_ =	sdelay $0x1  }
.Ltmp0:
0x1d: {  	(pc) =	sbr.rel @p0 .LBB2_2-.Ltmp0, $3  }
0x1e: {  	_ =	sdelay $0x1  }
0x1f: {  	v0 =	vand.u32 $0x7F, v0  }
0x20: {  	[tilespmem:s19+$0x0] =	vst v0;
	s19 =	sshra.s32 s20, $0x2;
	s20 =	sadd.s32 $0x40, s20  }
0x21: {  	v0 =	vld [tilespmem:s19+$0x0];
	_ =	sdelay $0x4  }
0x22: {  	v0 =	vand.u32 $0x7F, v0  }
0x23: {  	[tilespmem:s19+$0x0] =	vst v0  }
0x24: {  	[bflag:$0x0] =	sbarrier.arrive $0xFFFF  }
0x25: {  	[tilespmem:s15], [sflag:$0x1] =	stream.indirect.gather [spmem:s3], $0x80, s4, s14, $0xb8;
	[tilespmem:$0x1D000] =	vst v63  }
0x26: {  	_ =	swait.ge [sflag:s16], $0x3000  }
0x27: {  	[sflag:s16] =	ssyncset.done $0x0  }
0x28: {  	s31 =	simm.s32 $0x2800;
	[sflag:s16] =	ssyncadd.s32 $0xFFFFD000  }
0x29: {  	[spmem:s2] =	stream.indirect.scatter.add.f32 [tilespmem:s15], [sflag:$0x2], $0x80, s31, s14, $0xb8;
	[tilespmem:$0x1D000] =	vst v63  }
0x2a: {  	_ =	swait.ge [sflag:s12], $0x3000  }
0x2b: {  	s21 =	simm.s32 $0x60;
	[sflag:s12] =	ssyncset.done $0x0  }
0x2c: {  	s20 =	simm.s32 $0x2880;
	s19 =	simm.s32 $0x300;
	[sflag:s12] =	ssyncadd.s32 $0xFFFFD000  }
.LBB2_4:
0x2d: {  	[tilespmem:s15], [sflag:$0x1] =	stream.indirect.gather [spmem:s3], $0x80, s21, s14, $0xb8;
	[tilespmem:$0x1D000] =	vst v63  }
0x2e: {  	s21 =	smov.u32 s19  }
0x2f: {  	p0 =	sne.s32 s19, $0x9D80;
	s19 =	sadd.s32 $0x180, s19;
	_ =	swait.ge [sflag:s16], $0x3000  }
0x30: {  	[sflag:s16] =	ssyncset.done $0x0  }
.Ltmp1:
0x31: {  	[sflag:s16] =	ssyncadd.s32 $0xFFFFD000;
	(pc) =	sbr.rel @p0 .LBB2_4-.Ltmp1, $4  }
0x32: {  	[spmem:s2] =	stream.indirect.scatter.add.f32 [tilespmem:s15], [sflag:$0x2], $0x80, s20, s14, $0xb8;
	[tilespmem:$0x1D000] =	vst v63  }
0x33: {  	_ =	swait.ge [sflag:s12], $0x3000  }
0x34: {  	[sflag:s12] =	ssyncset.done $0x0  }
0x35: {  	s21 =	sshra.s32 s21, $0x2;
	s20 =	sadd.s32 $0x80, s20;
	[sflag:s12] =	ssyncadd.s32 $0xFFFFD000  }
0x36: {  	[tilespmem:s15], [sflag:$0x1] =	stream.indirect.gather [spmem:s3], $0x80, s21, s14, $0xb8;
	[tilespmem:$0x1D000] =	vst v63  }
0x37: {  	_ =	swait.ge [sflag:s16], $0x3000  }
0x38: {  	[sflag:s16] =	ssyncset.done $0x0  }
0x39: {  	[sflag:s16] =	ssyncadd.s32 $0xFFFFD000  }
0x3a: {  	[spmem:s2] =	stream.indirect.scatter.add.f32 [tilespmem:s15], [sflag:$0x2], $0x80, s17, s14, $0xb8;
	[tilespmem:$0x1D000] =	vst v63  }
0x3b: {  	_ =	swait.ge [sflag:s12], $0x3000  }
0x3c: {  	s18 =	sadd.s32 $0x1, s18;
	[sflag:s12] =	ssyncset.done $0x0  }
0x3d: {  	p0 =	sne.s32 s18, s10;
	[sflag:s12] =	ssyncadd.s32 $0xFFFFD000  }
.Ltmp2:
0x3e: {  	[bflag:$0x0] =	sbarrier.arrive $0xFFFF;
	(pc) =	sbr.rel @p0 .LBB2_1-.Ltmp2, $4  }
0x3f: {  	[hbm:s9], [sflag:s6] =	dma.local [spmem:s11], $0x2780  }
0x40: {  	_ =	swait.ge [sflag:s12], $0x2780  }
0x41: {  	[sflag:s12] =	ssyncset.done $0x0  }
0x42: {  	[sflag:s12] =	ssyncadd.s32 $0xFFFFD880  }
0x43: {  	_ =	sfence.sel $0x180000  }
0x44: {  	[bflag:$0x0] =	sbarrier.arrive $0xFFFF  }
0x45: {  	p0 =	sne.s32 s0, $0x0;
	_ =	strace $0x90000047  }
0x46: {  	s0 =	sadd.s32 @!p0 $0x100000, s1;
	[bflag:$0x2] =	sbarrier.arrive $0xFFFF  }
0x47: {  	[sflag:s0] =	ssyncadd.tile.s32 @!p0 $0x1;
	_ =	shalt  }
.Lfunc_end2:
_tile_overlayer_lowered:
.L_overlay_start_2:
0x48: {  	(tag) =	ssettag $0x2  }
0x49: {  	s0 =	rddreg [dreg:$0x0];
	s2 =	stileid.u32  }
0x4a: {  	s1 =	rddreg [dreg:$0x1];
	p0 =	sne.s32 s2, $0x0  }
0x4b: {  	s3 =	rddreg [dreg:$0x2];
	[bflag:$0x3] =	sbarrier.arrive $0xFFFF;
	s2 =	simm.s32 @!p0 $0x1C02  }
0x4c: {  	[timem:s3], [sflag:s2] =	dma.local @!p0 [hbm:s0], s1  }
0x4d: {  	s0 =	simm.s32 @!p0 $0x2  }
0x4e: {  	_ =	swait.ge @!p0 [sflag:s0], s1  }
0x4f: {  	s1 =	ssub.s32 @!p0 $0x0, s1;
	[sflag:s0] =	ssyncset.done @!p0 $0x0  }
0x50: {  	[sflag:s0] =	ssyncadd.s32 @!p0 s1  }
0x51: {  	[bflag:$0x3] =	sbarrier.arrive $0xFFFF  }
0x52: {  	_ =	shalt  }

</sc_bundles>
